<compile_context>
chip_gen: v7x
topology: tpu7x:2x2x1
jax: 0.10.2.dev20260603
libtpu: 0.0.44.dev20260713+nightly
codegen_flags: <defaults>
</compile_context>

<pallas_src>
import functools

import jax
import jax.numpy as jnp
from jax import lax
from jax.experimental import pallas as pl
from jax.experimental.pallas import tpu as pltpu
from jax.experimental.pallas import tpu_sc as plsc

_T_MAX = 1000
_BETA_MIN = 0.0001
_BETA_MAX = 0.02


@functools.partial(jax.jit, static_argnums=())
def kernel(t, abars):
    B = t.shape[0]
    Tm = abars.shape[0]
    L = 16
    mesh = plsc.VectorSubcoreMesh(core_axis_name="c", subcore_axis_name="s",
                                  num_cores=1)
    NC, NS = mesh.num_cores, mesh.num_subcores
    NW = NC * NS
    b_per_w = B // NW
    nreg = b_per_w // L
    scale = jnp.float32((_BETA_MAX - _BETA_MIN) / _T_MAX)

    @functools.partial(
        pl.kernel,
        mesh=mesh,
        compiler_params=pltpu.CompilerParams(
            needs_layout_passes=False,
            disable_bounds_checks=True,
            disable_semaphore_checks=True,
            skip_device_barrier=True,
        ),
        out_type=(
            jax.ShapeDtypeStruct((B,), jnp.float32),
            jax.ShapeDtypeStruct((B,), jnp.float32),
        ),
        scratch_types=[
            pltpu.VMEM((Tm,), jnp.float32),
            pltpu.VMEM((b_per_w,), jnp.int32),
            pltpu.VMEM((b_per_w,), jnp.float32),
            pltpu.VMEM((b_per_w,), jnp.float32),
            pltpu.SemaphoreType.DMA,
            pltpu.SemaphoreType.DMA,
        ],
    )
    def run(t_hbm, abars_hbm, at_hbm, betas_hbm,
            abars_v, t_v, at_v, betas_v, sem_a, sem_t):
        wid = lax.axis_index("s") * NC + lax.axis_index("c")
        base = wid * b_per_w
        cp_a = pltpu.async_copy(abars_hbm, abars_v, sem_a)
        cp_t = pltpu.async_copy(t_hbm.at[pl.ds(base, b_per_w)], t_v, sem_t)
        cp_t.wait()
        cp_a.wait()

        @plsc.parallel_loop(0, nreg, unroll=8)
        def body(i):
            sl = pl.ds(i * L, L)
            tv = t_v[sl]
            at_v[sl] = plsc.load_gather(abars_v, [tv])
            betas_v[sl] = _BETA_MIN + tv.astype(jnp.float32) * scale

        cp_out_a = pltpu.async_copy(at_v, at_hbm.at[pl.ds(base, b_per_w)], sem_a)
        cp_out_b = pltpu.async_copy(betas_v, betas_hbm.at[pl.ds(base, b_per_w)], sem_t)
        cp_out_a.wait()
        cp_out_b.wait()

    at, betas = run(t, abars)
    return (at, betas)

# --- scband reference (transcript-rebuilt; emitter-appended) ---
"""Pipeline reference for scband-beta-scheduler-28561532518783 (READ-ONLY COPY).

The authoritative reference and input builder live on the scoring server;
editing this copy changes nothing except your own understanding.
"""

import jax, jax.numpy as jnp
import numpy as np

T_MAX = 1000
BETA_MIN = 0.0001
BETA_MAX = 0.02
BATCH = 16384


def setup_inputs(seed: int = 0) -> dict:
    key = jax.random.key(seed)
    t = jax.random.randint(key, (BATCH,), 0, T_MAX, dtype=jnp.int32)
    # buffer: abars = cumprod(1 - linspace(beta_min, beta_max, t_max))
    abars = jnp.cumprod(1.0 - jnp.linspace(BETA_MIN, BETA_MAX, T_MAX, dtype=jnp.float32))
    return {"t": t, "abars": abars}


def reference(t, abars):
    B = t.shape[0]
    Tm = abars.shape[0]
    # faithful translation of torch.gather(abars.unsqueeze(1).expand(-1, B), 0, t.unsqueeze(0).expand(Tm, -1)).max(0).values
    abars_exp = jnp.broadcast_to(abars[:, None], (Tm, B))
    idx = jnp.broadcast_to(t[None, :], (Tm, B))
    gathered = jnp.take_along_axis(abars_exp, idx, axis=0)
    abars_t = jnp.max(gathered, axis=0)
    betas = BETA_MIN + t / T_MAX * (BETA_MAX - BETA_MIN)
    return (abars_t, betas)

if __name__ == "__main__":
    import jax
    _d = setup_inputs()
    print(jax.jit(kernel)(*tuple(_d.values())))

</pallas_src>

<mosaic_0001>
#map = affine_map<(d0, d1) -> (0)>
module attributes {stable_mosaic.version = 14 : i64} {
  func.func @_rewritten_body(%arg0: i32, %arg1: i32, %arg2: memref<16384xi32, #tpu.memory_space<hbm>>, %arg3: memref<1000xf32, #tpu.memory_space<hbm>>, %arg4: memref<1xf32, #tpu.memory_space<hbm>>, %arg5: memref<16384xf32, #tpu.memory_space<hbm>>, %arg6: memref<16384xf32, #tpu.memory_space<hbm>>, %arg7: memref<1000xf32, #tpu.memory_space<vmem>>, %arg8: memref<1024xi32, #tpu.memory_space<vmem>>, %arg9: memref<1024xf32, #tpu.memory_space<vmem>>, %arg10: memref<1024xf32, #tpu.memory_space<vmem>>, %arg11: memref<!tpu.dma_semaphore, #tpu.memory_space<semaphore_mem>>, %arg12: memref<!tpu.dma_semaphore, #tpu.memory_space<semaphore_mem>>) attributes {dimension_semantics = [#tpu.dimension_semantics<core_parallel>, #tpu.dimension_semantics<subcore_parallel>], iteration_bounds = array<i64: 1, 16>, scalar_prefetch = 0 : i64, scratch_operands = 6 : i64, tpu.core_type = #tpu.core_type<sc_vector_subcore>, window_params = [{transform_indices = #map}, {transform_indices = #map}, {transform_indices = #map}, {transform_indices = #map}, {transform_indices = #map}]} {
    %empty_ref3A = memref.alloca() : memref<16xf32, #tpu.memory_space<vmem>>
    "tpu.region"() ({
      %run_scoped3A = tpu.sem_alloc : memref<!tpu.dma_semaphore, #tpu.memory_space<semaphore_mem>>
      %dma_start3A_16 = arith.constant 0 : i32
      %dma_start3A_17 = tpu.memref_slice %empty_ref3A[%dma_start3A_16] : memref<16xf32, #tpu.memory_space<vmem>> -> memref<1xf32, #tpu.memory_space<vmem>>
      %dma_start3A_18 = arith.constant 0 : i32
      %dma_start3A_19 = tpu.memref_slice %empty_ref3A[%dma_start3A_18] : memref<16xf32, #tpu.memory_space<vmem>> -> memref<1xf32, #tpu.memory_space<vmem>>
      tpu.enqueue_dma source(%arg4 : memref<1xf32, #tpu.memory_space<hbm>>) target(%dma_start3A_19 : memref<1xf32, #tpu.memory_space<vmem>>) target_semaphore(%run_scoped3A : memref<!tpu.dma_semaphore, #tpu.memory_space<semaphore_mem>>)
      %dma_wait3A_20 = arith.constant 0 : i32
      %dma_wait3A_21 = tpu.memref_slice %empty_ref3A[%dma_wait3A_20] : memref<16xf32, #tpu.memory_space<vmem>> -> memref<1xf32, #tpu.memory_space<vmem>>
      %dma_wait3A_22 = arith.constant 0 : i32
      %dma_wait3A_23 = tpu.memref_slice %empty_ref3A[%dma_wait3A_22] : memref<16xf32, #tpu.memory_space<vmem>> -> memref<1xf32, #tpu.memory_space<vmem>>
      tpu.wait_dma2 semaphore(%run_scoped3A : memref<!tpu.dma_semaphore, #tpu.memory_space<semaphore_mem>>) src(%arg4 : memref<1xf32, #tpu.memory_space<hbm>>) dst(%dma_wait3A_23 : memref<1xf32, #tpu.memory_space<vmem>>)
      tpu.yield
    }) : () -> ()
    %get3A = arith.constant 0 : index
    %get3A_0 = tpu.vector_load %empty_ref3A[%get3A] {strides = array<i32>} : memref<16xf32, #tpu.memory_space<vmem>>, vector<16xf32>,
    %slice3A = vector.extract_strided_slice %get3A_0 {offsets = [0], sizes = [1], strides = [1]} : vector<16xf32> to vector<1xf32>
    %squeeze3A = vector.extract %slice3A[0] : f32 from vector<1xf32>
    %mul3A = arith.constant 1 : i32
    %mul3A_1 = arith.muli %arg1, %mul3A : i32
    %add3A = arith.addi %mul3A_1, %arg0 : i32
    %mul3A_2 = arith.constant 1024 : i32
    %mul3A_3 = arith.muli %add3A, %mul3A_2 : i32
    tpu.enqueue_dma source(%arg3 : memref<1000xf32, #tpu.memory_space<hbm>>) target(%arg7 : memref<1000xf32, #tpu.memory_space<vmem>>) target_semaphore(%arg11 : memref<!tpu.dma_semaphore, #tpu.memory_space<semaphore_mem>>)
    %dma_start3A = tpu.memref_slice %arg2[%mul3A_3] : memref<16384xi32, #tpu.memory_space<hbm>> -> memref<1024xi32, #tpu.memory_space<hbm>>
    %dma_start3A_4 = tpu.memref_slice %arg2[%mul3A_3] : memref<16384xi32, #tpu.memory_space<hbm>> -> memref<1024xi32, #tpu.memory_space<hbm>>
    tpu.enqueue_dma source(%dma_start3A_4 : memref<1024xi32, #tpu.memory_space<hbm>>) target(%arg8 : memref<1024xi32, #tpu.memory_space<vmem>>) target_semaphore(%arg12 : memref<!tpu.dma_semaphore, #tpu.memory_space<semaphore_mem>>)
    %dma_wait3A = tpu.memref_slice %arg2[%mul3A_3] : memref<16384xi32, #tpu.memory_space<hbm>> -> memref<1024xi32, #tpu.memory_space<hbm>>
    %dma_wait3A_5 = tpu.memref_slice %arg2[%mul3A_3] : memref<16384xi32, #tpu.memory_space<hbm>> -> memref<1024xi32, #tpu.memory_space<hbm>>
    tpu.wait_dma2 semaphore(%arg12 : memref<!tpu.dma_semaphore, #tpu.memory_space<semaphore_mem>>) src(%dma_wait3A_5 : memref<1024xi32, #tpu.memory_space<hbm>>) dst(%arg8 : memref<1024xi32, #tpu.memory_space<vmem>>)
    tpu.wait_dma2 semaphore(%arg11 : memref<!tpu.dma_semaphore, #tpu.memory_space<semaphore_mem>>) src(%arg3 : memref<1000xf32, #tpu.memory_space<hbm>>) dst(%arg7 : memref<1000xf32, #tpu.memory_space<vmem>>)
    %parallel_loop3A = arith.constant 0 : i32
    %parallel_loop3A_6 = arith.constant 64 : i32
    %parallel_loop3A_7 = arith.constant 1 : i32
    scf.for %parallel_loop3A_16 = %parallel_loop3A to %parallel_loop3A_6 step %parallel_loop3A_7  : i32 {
      %parallel_loop3A_17 = arith.constant 16 : i32
      %parallel_loop3A_18 = arith.muli %parallel_loop3A_16, %parallel_loop3A_17 : i32
      %parallel_loop3A_19 = arith.index_cast %parallel_loop3A_18 : i32 to index
      %parallel_loop3A_20 = tpu.vector_load %arg8[%parallel_loop3A_19] {strides = array<i32>} : memref<1024xi32, #tpu.memory_space<vmem>>, vector<16xi32>,
      %parallel_loop3A_21 = tpu.vector_load_idx %arg7[%parallel_loop3A_20] : memref<1000xf32, #tpu.memory_space<vmem>>[vector<16xi32>], vector<16xf32>,
      %parallel_loop3A_22 = arith.index_cast %parallel_loop3A_18 : i32 to index
      %parallel_loop3A_23 = tpu.vector_load %arg9[%parallel_loop3A_22] {strides = array<i32>} : memref<1024xf32, #tpu.memory_space<vmem>>, vector<16xf32>,
      tpu.vector_store %arg9[%parallel_loop3A_22], %parallel_loop3A_21 {strides = array<i32>} : memref<1024xf32, #tpu.memory_space<vmem>>, vector<16xf32>,
      %parallel_loop3A_24 = arith.sitofp %parallel_loop3A_20 : vector<16xi32> to vector<16xf32>
      %parallel_loop3A_25 = vector.broadcast %squeeze3A : f32 to vector<16xf32>
      %parallel_loop3A_26 = arith.mulf %parallel_loop3A_24, %parallel_loop3A_25 : vector<16xf32>
      %parallel_loop3A_27 = arith.constant 9.99999974E-5 : f32
      %parallel_loop3A_28 = vector.broadcast %parallel_loop3A_27 : f32 to vector<16xf32>
      %parallel_loop3A_29 = arith.addf %parallel_loop3A_28, %parallel_loop3A_26 : vector<16xf32>
      %parallel_loop3A_30 = arith.index_cast %parallel_loop3A_18 : i32 to index
      %parallel_loop3A_31 = tpu.vector_load %arg10[%parallel_loop3A_30] {strides = array<i32>} : memref<1024xf32, #tpu.memory_space<vmem>>, vector<16xf32>,
      tpu.vector_store %arg10[%parallel_loop3A_30], %parallel_loop3A_29 {strides = array<i32>} : memref<1024xf32, #tpu.memory_space<vmem>>, vector<16xf32>,
    } {sc.loop_unroll_factor = 8 : i64, sc.parallel_access}
    %dma_start3A_8 = tpu.memref_slice %arg5[%mul3A_3] : memref<16384xf32, #tpu.memory_space<hbm>> -> memref<1024xf32, #tpu.memory_space<hbm>>
    %dma_start3A_9 = tpu.memref_slice %arg5[%mul3A_3] : memref<16384xf32, #tpu.memory_space<hbm>> -> memref<1024xf32, #tpu.memory_space<hbm>>
    tpu.enqueue_dma source(%arg9 : memref<1024xf32, #tpu.memory_space<vmem>>) target(%dma_start3A_9 : memref<1024xf32, #tpu.memory_space<hbm>>) target_semaphore(%arg11 : memref<!tpu.dma_semaphore, #tpu.memory_space<semaphore_mem>>)
    %dma_start3A_10 = tpu.memref_slice %arg6[%mul3A_3] : memref<16384xf32, #tpu.memory_space<hbm>> -> memref<1024xf32, #tpu.memory_space<hbm>>
    %dma_start3A_11 = tpu.memref_slice %arg6[%mul3A_3] : memref<16384xf32, #tpu.memory_space<hbm>> -> memref<1024xf32, #tpu.memory_space<hbm>>
    tpu.enqueue_dma source(%arg10 : memref<1024xf32, #tpu.memory_space<vmem>>) target(%dma_start3A_11 : memref<1024xf32, #tpu.memory_space<hbm>>) target_semaphore(%arg12 : memref<!tpu.dma_semaphore, #tpu.memory_space<semaphore_mem>>)
    %dma_wait3A_12 = tpu.memref_slice %arg5[%mul3A_3] : memref<16384xf32, #tpu.memory_space<hbm>> -> memref<1024xf32, #tpu.memory_space<hbm>>
    %dma_wait3A_13 = tpu.memref_slice %arg5[%mul3A_3] : memref<16384xf32, #tpu.memory_space<hbm>> -> memref<1024xf32, #tpu.memory_space<hbm>>
    tpu.wait_dma2 semaphore(%arg11 : memref<!tpu.dma_semaphore, #tpu.memory_space<semaphore_mem>>) src(%arg9 : memref<1024xf32, #tpu.memory_space<vmem>>) dst(%dma_wait3A_13 : memref<1024xf32, #tpu.memory_space<hbm>>)
    %dma_wait3A_14 = tpu.memref_slice %arg6[%mul3A_3] : memref<16384xf32, #tpu.memory_space<hbm>> -> memref<1024xf32, #tpu.memory_space<hbm>>
    %dma_wait3A_15 = tpu.memref_slice %arg6[%mul3A_3] : memref<16384xf32, #tpu.memory_space<hbm>> -> memref<1024xf32, #tpu.memory_space<hbm>>
    tpu.wait_dma2 semaphore(%arg12 : memref<!tpu.dma_semaphore, #tpu.memory_space<semaphore_mem>>) src(%arg10 : memref<1024xf32, #tpu.memory_space<vmem>>) dst(%dma_wait3A_15 : memref<1024xf32, #tpu.memory_space<hbm>>)
    return
  }
}

</mosaic_0001>

<sc_bundles>
// kernel: kernel.3.cloned.1.call-start
scs
__scs_entry_jumppad:
0x0: {  	(pc) =	sbr.rel $0x88, $3  }
0x1: {  	(tag) =	ssettag $0x0;
	lr =	simm.s32 $0x1  }
0x2: {  	[smem:$0x3F9F] =	sst lr;
	_ =	strace $0xD0000000  }
0x3: {  	_ = 	snop  }
0x4: {  	_ = 	snop  }
0x5: {  	_ = 	snop  }
0x6: {  	_ = 	snop  }
0x7: {  	_ = 	snop  }
__scs_overlays_trampoline_lowered:
0x8: {  	[smem:$0x3FAE] =	sst s0  }
0x9: {  	[smem:$0x3FAF] =	sst s1  }
0xa: {  	[smem:$0x3FB0] =	sst s2  }
0xb: {  	[smem:$0x3FB1] =	sst s3  }
0xc: {  	[smem:$0x3FB2] =	sst s4  }
0xd: {  	[smem:$0x3FB3] =	sst s5  }
0xe: {  	[smem:$0x3FB4] =	sst s6  }
0xf: {  	[smem:$0x3FB5] =	sst s7  }
0x10: {  	[smem:$0x3FB6] =	sst s8  }
0x11: {  	[smem:$0x3FB7] =	sst s9;
	s0 =	simm.s32 @!p0 $0x0  }
0x12: {  	s1 =	sld [smem:$0x3F9D];
	s0 =	simm.s32 @p0 $0x1  }
0x13: {  	[smem:$0x3FB8] =	sst s0;
	s0 =	simm.s32 @!p1 $0x0  }
0x14: {  	s2 =	sld [smem:$0x3F9C];
	s0 =	simm.s32 @p1 $0x1  }
0x15: {  	[smem:$0x3FB9] =	sst s0;
	s0 =	simm.s32 @!p2 $0x0  }
0x16: {  	s3 =	sld [smem:$0x3FDB];
	s0 =	simm.s32 @p2 $0x1  }
0x17: {  	s4 =	simm.s32 $0x1BF5;
	[smem:$0x3FBB] =	sst s0  }
0x18: {  	s0 =	sld [smem:$0x3F9E];
	_ =	swait.ge [sflag:s4], $0x0  }
0x19: {  	s7 =	sld [smem:$0x3F9F]  }
0x1a: {  	s8 =	sadd.s32 $0xFFFFE003, lr  }
0x1b: {  	s9 =	sadd.s32 $0xFFFFFEF7, lr;
	s5 =	simm.s32 $0xFFFFFFFF;
	p2 =	slt.u32 s8, $0xFFFFF086  }
0x1c: {  	p1 =	slt.u32 s9, $0xF7A;
	s5 =	simm.s32 @!p2 $0x0  }
0x1d: {  	s5 =	simm.s32 @p1 $0x1;
	p0 =	seq.s32 s7, s2  }
0x1e: {  	s7 =	smul.u32 @!p0 $0xF7A, s2;
	p2 =	seq.s32 @!p0 s5, $0x0  }
0x1f: {  	s9 =	smul.u32 $0xF7A, s1;
	s8 =	simm.s32 @!p0 $0x1BF5;
	p2 =	por !p2, p0  }
0x20: {  	[sflag:s8] =	ssyncset.s32 @!p0 $0xFFFFF086;
	s6 =	sadd.s32 @!p0 s3, s7;
	s7 =	simm.s32 @!p0 $0x108  }
0x21: {  	s3 =	sadd.s32 s3, s9;
	s6 =	sadd.s32 @!p0 $0x88, s6;
	s7 =	simm.s32 @p2 $0x1082  }
0x22: {  	[simem:s7], [sflag:s8] =	dma.local @!p0 [hbm:s6], $0xF7A  }
0x23: {  	s9 =	sor.u32 $0xD0000000, s2;
	s6 =	simm.s32 $0x108;
	_ =	swait.ge @!p0 [sflag:s8], $0x0  }
0x24: {  	s3 =	sadd.s32 $0x88, s3;
	s6 =	simm.s32 @!p1 $0x1082;
	[sflag:s4] =	ssyncset.s32 $0xFFFFF086  }
0x25: {  	[simem:s6], [sflag:s4] =	dma.local [hbm:s3], $0xF7A  }
0x26: {  	[smem:$0x3F9F] =	sst s1;
	(tag) =	ssettag s2;
	_ =	strace s9  }
0x27: {  	s1 =	sld [smem:$0x3FAF]  }
0x28: {  	s2 =	sld [smem:$0x3FB0]  }
0x29: {  	s4 =	sld [smem:$0x3FB2]  }
0x2a: {  	p0 =	seq.s32 s5, $0x0;
	s5 =	sld [smem:$0x3FB3]  }
0x2b: {  	s6 =	sld [smem:$0x3FB4]  }
0x2c: {  	s7 =	sld [smem:$0x3FB5]  }
0x2d: {  	s3 =	simm.s32 $0x108;
	s8 =	sld [smem:$0x3FB6]  }
0x2e: {  	s3 =	simm.s32 @!p0 $0x1082;
	s9 =	sld [smem:$0x3FB7]  }
0x2f: {  	lr =	sadd.s32 s0, s3;
	s0 =	sld [smem:$0x3FAE]  }
0x30: {  	s3 =	sld [smem:$0x3FB1]  }
0x31: {  	[smem:$0x3FBA] =	sst s10  }
0x32: {  	s10 =	sld [smem:$0x3FB8];
	_ =	sdelay $0x3  }
0x33: {  	p0 =	seq.s32 s10, $0x1;
	s10 =	sld [smem:$0x3FBA];
	_ =	sdelay $0x3  }
0x34: {  	[smem:$0x3FBA] =	sst s10  }
0x35: {  	s10 =	sld [smem:$0x3FB9];
	_ =	sdelay $0x3  }
0x36: {  	p1 =	seq.s32 s10, $0x1;
	s10 =	sld [smem:$0x3FBA];
	_ =	sdelay $0x3  }
0x37: {  	[smem:$0x3FBA] =	sst s10  }
0x38: {  	s10 =	sld [smem:$0x3FBB]  }
0x39: {  	_ = 	snop;
	(pc) =	sbr.ind lr, $3  }
0x3a: {  	_ = 	snop  }
0x3b: {  	_ = 	snop  }
0x3c: {  	p2 =	seq.s32 s10, $0x1;
	s10 =	sld [smem:$0x3FBA]  }
0x3d: {  	_ =	shalt  }
0x3e: {  	_ =	shalt  }
0x3f: {  	_ =	shalt  }
0x40: {  	_ =	shalt  }
0x41: {  	_ =	shalt  }
0x42: {  	_ =	shalt  }
0x43: {  	_ =	shalt  }
0x44: {  	_ =	shalt  }
0x45: {  	_ =	shalt  }
0x46: {  	_ =	shalt  }
0x47: {  	_ =	shalt  }
0x48: {  	_ =	shalt  }
0x49: {  	_ =	shalt  }
0x4a: {  	_ =	shalt  }
0x4b: {  	_ =	shalt  }
0x4c: {  	_ =	shalt  }
0x4d: {  	_ =	shalt  }
0x4e: {  	_ =	shalt  }
0x4f: {  	_ =	shalt  }
0x50: {  	_ =	shalt  }
0x51: {  	_ =	shalt  }
0x52: {  	_ =	shalt  }
0x53: {  	_ =	shalt  }
0x54: {  	_ =	shalt  }
0x55: {  	_ =	shalt  }
0x56: {  	_ =	shalt  }
0x57: {  	_ =	shalt  }
0x58: {  	_ =	shalt  }
0x59: {  	_ =	shalt  }
0x5a: {  	_ =	shalt  }
0x5b: {  	_ =	shalt  }
0x5c: {  	_ =	shalt  }
0x5d: {  	_ =	shalt  }
0x5e: {  	_ =	shalt  }
0x5f: {  	_ =	shalt  }
0x60: {  	_ =	shalt  }
0x61: {  	_ =	shalt  }
0x62: {  	_ =	shalt  }
0x63: {  	_ =	shalt  }
0x64: {  	_ =	shalt  }
0x65: {  	_ =	shalt  }
0x66: {  	_ =	shalt  }
0x67: {  	_ =	shalt  }
0x68: {  	_ =	shalt  }
0x69: {  	_ =	shalt  }
0x6a: {  	_ =	shalt  }
0x6b: {  	_ =	shalt  }
0x6c: {  	_ =	shalt  }
0x6d: {  	_ =	shalt  }
0x6e: {  	_ =	shalt  }
0x6f: {  	_ =	shalt  }
0x70: {  	_ =	shalt  }
0x71: {  	_ =	shalt  }
0x72: {  	_ =	shalt  }
0x73: {  	_ =	shalt  }
0x74: {  	_ =	shalt  }
0x75: {  	_ =	shalt  }
0x76: {  	_ =	shalt  }
0x77: {  	_ =	shalt  }
0x78: {  	_ =	shalt  }
0x79: {  	_ =	shalt  }
0x7a: {  	_ =	shalt  }
0x7b: {  	_ =	shalt  }
0x7c: {  	_ =	shalt  }
0x7d: {  	_ =	shalt  }
0x7e: {  	_ =	shalt  }
0x7f: {  	_ =	shalt  }
0x80: {  	_ =	shalt  }
0x81: {  	_ =	shalt  }
0x82: {  	_ =	shalt  }
0x83: {  	_ =	shalt  }
0x84: {  	_ =	shalt  }
0x85: {  	_ =	shalt  }
0x86: {  	_ =	shalt  }
0x87: {  	_ =	shalt  }
.Lfunc_end0:
.L_simem_size_0:
called_computation_lowered:
.L_overlay_start_0:
0x88: {  	s0 =	sld [smem:$0x3FD9]  }
0x89: {  	s1 =	sld [smem:$0x3FFE];
	_ =	sdelay $0x3  }
0x8a: {  	s0 =	sadd.s32 s1, s0  }
0x8b: {  	[smem:$0x3FC6] =	sst s0  }
0x8c: {  	_ = 	snop  }
0x8d: {  	s0 =	sld [smem:$0x3FD0];
	_ =	sdelay $0x1  }
0x8e: {  	s13 =	sld [smem:$0x3FC9]  }
0x8f: {  	s3 =	simm.s32 $0xA;
	s4 =	simm.s32 $0x10;
	s2 =	sld [smem:$0x3FC8]  }
0x90: {  	[smem:s4], [sflag:s3] =	dma.local [hbm:s0], $0x1  }
0x91: {  	_ =	swait.eq [sflag:s3], $0x1  }
0x92: {  	[sflag:s3] =	ssyncset.done $0x0  }
0x93: {  	s14 =	sld [smem:$0x10];
	[sflag:s3] =	ssyncadd.s32 $0xFFFFFFFF  }
0x94: {  	s15 =	sld [smem:$0x11];
	(tm) =	ssettm $0x1  }
0x95: {  	s16 =	sld [smem:$0x3FFB];
	_ =	sdelay $0x3  }
0x96: {  	_ =	strace s16  }
0x97: {  	s4 =	sld [smem:$0x3FFC];
	_ =	sdelay $0x3  }
0x98: {  	_ =	strace s4  }
0x99: {  	s4 =	sld [smem:$0x3FFD];
	_ =	sdelay $0x3  }
0x9a: {  	_ =	strace s4  }
0x9b: {  	_ =	strace $0x8FFFFFFF  }
0x9c: {  	s17 =	sld [smem:$0x3FDB];
	_ =	sdelay $0x1  }
0x9d: {  	s5 =	simm.s32 $_scs_section_size  }
0x9e: {  	s6 =	simm.s32 $_size__tile_overlayer_lowered;
	s7 =	simm.s32 $_tile_overlayer_lowered  }
0x9f: {  	s20 =	simm.s32 $0x1BFF;
	s19 =	sshll.u32 s7, $0x1;
	s4 =	sadd.s32 s5, s17  }
0xa0: {  	s8 =	simm.s32 $0x0;
	s18 =	sshll.u32 s6, $0x1;
	s6 =	sadd.s32 s19, s4  }
0xa1: {  	[timem:s8], [sflag:s20] =	dma.local [hbm:s6], s18  }
0xa2: {  	_ =	swait.ge [sflag:s20], s18  }
0xa3: {  	s5 =	ssub.s32 $0x0, s18;
	[sflag:s20] =	ssyncset.done $0x0  }
0xa4: {  	[sflag:s20] =	ssyncadd.s32 s5;
	_ =	sdelay $0x1  }
0xa5: {  	s21 =	simm.s32 $0x1B8B  }
0xa6: {  	_ =	swait.ge [sflag:s21], $0x1  }
0xa7: {  	[sflag:s21] =	ssyncset.done $0x0  }
0xa8: {  	s23 =	simm.s32 $0x1B8E;
	s22 =	sld [smem:$0x3FFE];
	[sflag:s21] =	ssyncadd.s32 $0xFFFFFFFF  }
0xa9: {  	s24 =	simm.s32 $execute0_lowered;
	[smem:$0x3FD2] =	sst s23  }
0xaa: {  	s6 =	sshll.u32 s24, $0x1;
	_ =	strace $0x80000046;
	[dreg:$0x1] =	wrdreg $0xFFFFFFFF  }
0xab: {  	s25 =	simm.s32 $_size_execute0_lowered;
	s4 =	sadd.s32 s4, s6;
	[dreg:$0x0] =	wrdreg $0x0  }
0xac: {  	s6 =	sshll.u32 s25, $0x1;
	[dreg:$0x2] =	wrdreg s4  }
0xad: {  	[dreg:$0x3] =	wrdreg s6  }
0xae: {  	[dreg:$0x4] =	wrdreg $0xC0  }
0xaf: {  	_ =	task [dreg:s8], $0x5FFFF  }
0xb0: {  	[dreg:$0x1] =	wrdreg $0xFFFFFFFF  }
0xb1: {  	[dreg:$0x0] =	wrdreg $0x60  }
0xb2: {  	[dreg:$0x2] =	wrdreg s13  }
0xb3: {  	[dreg:$0x3] =	wrdreg s2  }
0xb4: {  	[dreg:$0x4] =	wrdreg s22  }
0xb5: {  	[dreg:$0x5] =	wrdreg s14  }
0xb6: {  	[dreg:$0x6] =	wrdreg s15  }
0xb7: {  	[dreg:$0x7] =	wrdreg $0x9  }
0xb8: {  	_ =	task.clear_ibuf [dreg:s8], $0x8FFFF;
	_ =	strace $0x90000046  }
0xb9: {  	s26 =	simm.s32 $0x9;
	_ =	strace $0x80000048  }
0xba: {  	_ =	swait.ge [sflag:s26], $0x1  }
0xbb: {  	[sflag:s26] =	ssyncadd.s32 $0xFFFFFFFF  }
0xbc: {  	_ =	strace $0x90000048  }
0xbd: {  	_ =	sfence  }
0xbe: {  	s28 =	sld [smem:$0x0];
	_ =	sdelay $0x1  }
0xbf: {  	s29 =	srdreg.scid  }
0xc0: {  	s30 =	sshll.u32 s29, $0xD;
	s31 =	sshrl.u32 s29, $0x2  }
0xc1: {  	s1 =	sand.u32 $0x1, s29;
	s2 =	sand.u32 $0x4000, s30;
	s0 =	sadd.s32 s31, s28  }
0xc2: {  	s1 =	sor.u32 s2, s1;
	s0 =	sshll.u32 s0, $0x11  }
0xc3: {  	s0 =	sor.u32 s0, s1  }
0xc4: {  	s0 =	sadd.s32 $0x8F2B, s0  }
0xc5: {  	[sflag:s0] =	ssyncadd.remote.s32 $0x1  }
0xc6: {  	_ =	sfence.sel $0xFFFF  }
0xc7: {  	[dreg:$0x0] =	wrdreg $0xFFFFFFFF;
	(pc) =	sbr.abs _section_cstart, $3  }
0xc8: {  	[dreg:$0x1] =	wrdreg $0xFFFFFFFF  }
0xc9: {  	_ =	task.clear_ibuf [dreg:s8], $0x2FFFF;
	_ =	strace $0x9FFFFFFF  }
0xca: {  	(tm) =	ssettm $0x7FFFFFFF  }
0xcb: {  	_ =	shalt  }
tec
execute0_lowered:
.L_overlay_start_1:
0x0: {  	(tag) =	ssettag $0x1  }
0x1: {  	s6 =	rddreg [dreg:$0x0]  }
0x2: {  	s7 =	rddreg [dreg:$0x1]  }
0x3: {  	s1 =	rddreg [dreg:$0x2]  }
0x4: {  	s3 =	rddreg [dreg:$0x3]  }
0x5: {  	s2 =	rddreg [dreg:$0x4]  }
0x6: {  	s0 =	rddreg [dreg:$0x5];
	s5 =	simm.s32 $0x0  }
0x7: {  	s4 =	simm.s32 $0x1000;
	[smem:$0x7FF] =	sst s5  }
0x8: {  	s26 =	simm.s32 $0x3;
	s1 =	sadd.s32 $0x600, s1;
	_ =	strace $0x80000047  }
0x9: {  	[tilespmem:s4], [sflag:$0x3] =	stream.linear.gather [hbm4b:s1+s5], $0x1, $0x38;
	[tilespmem:$0x1080] =	vst v63  }
0xa: {  	_ =	swait.ge [sflag:s26], $0x1  }
0xb: {  	s1 =	stileid.u32;
	[sflag:s26] =	ssyncset.done $0x0  }
0xc: {  	s4 =	sshll.u32 s1, $0x7;
	[sflag:s26] =	ssyncadd.s32 $0xFFFFFFFF  }
0xd: {  	v0 =	vld.msk [tilespmem:$0x1000 ss:$0x0], $0xffff;
	[tilespmem:s5], [sflag:$0x1] =	stream.linear.gather [hbm4b:s7+s5], $0x400, $0x38  }
0xe: {  	s28 =	simm.s32 $0x400;
	s29 =	simm.s32 $0x2;
	s6 =	sadd.s32 s6, s4  }
0xf: {  	[tilespmem:s28], [sflag:$0x2] =	stream.linear.gather [hbm4b:s6+s5], $0x400, $0x38;
	[tilespmem:$0x1080] =	vst v63  }
0x10: {  	_ =	swait.ge [sflag:s29], $0x400  }
0x11: {  	[sflag:s29] =	ssyncset.done $0x0  }
0x12: {  	s30 =	simm.s32 $0x1;
	[sflag:s29] =	ssyncadd.s32 $0xFFFFFC00  }
0x13: {  	_ =	swait.ge [sflag:s30], $0x400  }
0x14: {  	[sflag:s30] =	ssyncset.done $0x0  }
0x15: {  	s31 =	simm.s32 $0x440;
	[sflag:s30] =	ssyncadd.s32 $0xFFFFFC00  }
0x16: {  	v1 =	vld [tilespmem:s31+$0x30]  }
0x17: {  	v2 =	vld [tilespmem:s31+$0xFFFFFFD0]  }
0x18: {  	v3 =	vld [tilespmem:s31+$0xFFFFFFE0]  }
0x19: {  	v4 =	vld [tilespmem:s31+$0xFFFFFFF0]  }
0x1a: {  	v7 =	vld [tilespmem:s31+$0x0]  }
0x1b: {  	v9 =	vld [tilespmem:s31+$0x10]  }
0x1c: {  	v10 =	vld [tilespmem:s31+$0x20]  }
0x1d: {  	v12 =	vld [tilespmem:s31+$0xFFFFFFC0];
	_ =	sdelay $0x1  }
0x1e: {  	v5 =	vcvt.s32.f32 v2  }
0x1f: {  	v8 =	vcvt.s32.f32 v3;
	v13 =	vcvt.s32.f32 v4  }
0x20: {  	v16 =	vcvt.s32.f32 v9;
	v17 =	vcvt.s32.f32 v10;
	v15 =	vld.idx.msk [tilespmem:v1+s5+$0x0], $0xffff  }
0x21: {  	v19 =	vcvt.s32.f32 v12;
	v6 =	vld.idx.msk [tilespmem:v2+s5+$0x0], $0xffff;
	v1 =	vcvt.s32.f32 v1  }
0x22: {  	v11 =	vmul.f32 v5, v0;
	v14 =	vmul.f32 v8, v0;
	v5 =	vld.idx.msk [tilespmem:v3+s5+$0x0], $0xffff  }
0x23: {  	v2 =	vcvt.s32.f32 v7;
	v4 =	vld.idx.msk [tilespmem:v4+s5+$0x0], $0xffff;
	v18 =	vmul.f32 v1, v0  }
0x24: {  	v13 =	vmul.f32 v13, v0;
	v16 =	vmul.f32 v16, v0;
	v3 =	vld.idx.msk [tilespmem:v7+s5+$0x0], $0xffff;
	v8 =	vadd.f32 $9.999999740e-05, v11  }
0x25: {  	s6 =	simm.s32 $0x840;
	v12 =	vld.idx.msk [tilespmem:v12+s5+$0x0], $0xffff;
	v11 =	vadd.f32 $9.999999740e-05, v14;
	v7 =	vmul.f32 v2, v0;
	v18 =	vadd.f32 $9.999999740e-05, v18  }
0x26: {  	s7 =	simm.s32 $0xC40;
	v14 =	vmul.f32 v19, v0;
	v1 =	vld.idx.msk [tilespmem:v9+s5+$0x0], $0xffff;
	v9 =	vadd.f32 $9.999999740e-05, v13;
	v13 =	vmul.f32 v17, v0;
	[tilespmem:s6+$0x30] =	vst v15  }
0x27: {  	s8 =	simm.s32 $0x0;
	s9 =	simm.s32 $0x4C0;
	v2 =	vld.idx.msk [tilespmem:v10+s5+$0x0], $0xffff;
	v10 =	vadd.f32 $9.999999740e-05, v7;
	v7 =	vadd.f32 $9.999999740e-05, v16;
	[tilespmem:s7+$0x30] =	vst v18  }
.LBB2_1:
0x28: {  	v15 =	vld [tilespmem:s9+$0x30];
	v14 =	vadd.f32 $9.999999740e-05, v14;
	[tilespmem:s6+$0xFFFFFFD0] =	vst v6;
	v13 =	vadd.f32 $9.999999740e-05, v13  }
0x29: {  	s8 =	sadd.s32 $0x8, s8;
	v6 =	vld [tilespmem:s9+$0xFFFFFFD0];
	[tilespmem:s7+$0xFFFFFFD0] =	vst v8  }
0x2a: {  	p0 =	slt.u32 s8, $0x38;
	v16 =	vld [tilespmem:s9+$0xFFFFFFE0];
	[tilespmem:s6+$0xFFFFFFE0] =	vst v5  }
0x2b: {  	v17 =	vld [tilespmem:s9+$0xFFFFFFF0];
	[tilespmem:s7+$0xFFFFFFE0] =	vst v11  }
0x2c: {  	v18 =	vld [tilespmem:s9+$0x0];
	[tilespmem:s6+$0xFFFFFFF0] =	vst v4  }
0x2d: {  	v19 =	vld [tilespmem:s9+$0x10];
	[tilespmem:s6+$0xFFFFFFC0] =	vst v12  }
0x2e: {  	v4 =	vcvt.s32.f32 v6;
	v12 =	vld [tilespmem:s9+$0x20];
	[tilespmem:s7+$0xFFFFFFC0] =	vst v14  }
0x2f: {  	v20 =	vld [tilespmem:s9+$0xFFFFFFC0];
	v11 =	vcvt.s32.f32 v16;
	[tilespmem:s7+$0xFFFFFFF0] =	vst v9  }
0x30: {  	v4 =	vmul.f32 v4, v0;
	v9 =	vcvt.s32.f32 v17;
	v21 =	vld.idx.msk [tilespmem:v15+s5+$0x0], $0xffff;
	[tilespmem:s6+$0x0] =	vst v3  }
0x31: {  	v3 =	vcvt.s32.f32 v15;
	v6 =	vld.idx.msk [tilespmem:v6+s5+$0x0], $0xffff;
	v14 =	vcvt.s32.f32 v18;
	[tilespmem:s7+$0x0] =	vst v10  }
0x32: {  	v10 =	vmul.f32 v11, v0;
	v8 =	vadd.f32 $9.999999740e-05, v4;
	v5 =	vld.idx.msk [tilespmem:v16+s5+$0x0], $0xffff;
	v15 =	vcvt.s32.f32 v19;
	[tilespmem:s6+$0x10] =	vst v1  }
.Ltmp0:
0x33: {  	v4 =	vld.idx.msk [tilespmem:v17+s5+$0x0], $0xffff;
	v16 =	vcvt.s32.f32 v12;
	v17 =	vmul.f32 v3, v0;
	[tilespmem:s7+$0x10] =	vst v7;
	(pc) =	sbr.rel @p0 .LBB2_1-.Ltmp0, $4  }
0x34: {  	v9 =	vmul.f32 v9, v0;
	v11 =	vadd.f32 $9.999999740e-05, v10;
	v7 =	vcvt.s32.f32 v20;
	v3 =	vld.idx.msk [tilespmem:v18+s5+$0x0], $0xffff;
	[tilespmem:s6+$0x20] =	vst v2  }
0x35: {  	v10 =	vmul.f32 v14, v0;
	v15 =	vmul.f32 v15, v0;
	s6 =	sadd.s32 $0x80, s6;
	v1 =	vld.idx.msk [tilespmem:v19+s5+$0x0], $0xffff;
	v17 =	vadd.f32 $9.999999740e-05, v17;
	[tilespmem:s7+$0x20] =	vst v13  }
0x36: {  	v9 =	vadd.f32 $9.999999740e-05, v9;
	v13 =	vmul.f32 v16, v0;
	s7 =	sadd.s32 $0x80, s7;
	v14 =	vmul.f32 v7, v0;
	v2 =	vld.idx.msk [tilespmem:v12+s5+$0x0], $0xffff;
	[tilespmem:s6+$0x30] =	vst v21  }
0x37: {  	s9 =	sadd.s32 $0x80, s9;
	v10 =	vadd.f32 $9.999999740e-05, v10;
	v7 =	vadd.f32 $9.999999740e-05, v15;
	v12 =	vld.idx.msk [tilespmem:v20+s5+$0x0], $0xffff;
	[tilespmem:s7+$0x30] =	vst v17  }
0x38: {  	[tilespmem:s6+$0xFFFFFFD0] =	vst v6  }
0x39: {  	[tilespmem:s6+$0xFFFFFFE0] =	vst v5  }
0x3a: {  	[tilespmem:s6+$0xFFFFFFF0] =	vst v4  }
0x3b: {  	[tilespmem:s7+$0xFFFFFFD0] =	vst v8  }
0x3c: {  	[tilespmem:s7+$0xFFFFFFE0] =	vst v11  }
0x3d: {  	[tilespmem:s7+$0xFFFFFFF0] =	vst v9  }
0x3e: {  	[tilespmem:s6+$0x0] =	vst v3  }
0x3f: {  	[tilespmem:s7+$0x0] =	vst v10  }
0x40: {  	[tilespmem:s6+$0x10] =	vst v1  }
0x41: {  	[tilespmem:s7+$0x10] =	vst v7  }
0x42: {  	v63 =	vadd.f32 $9.999999740e-05, v13;
	[tilespmem:s6+$0x20] =	vst v2  }
0x43: {  	v0 =	vadd.f32 $9.999999740e-05, v14;
	[tilespmem:s6+$0xFFFFFFC0] =	vst v12  }
0x44: {  	[tilespmem:s7+$0x20] =	vst v63  }
0x45: {  	s3 =	sadd.s32 s3, s4;
	s5 =	simm.s32 $0x0;
	s28 =	simm.s32 $0x800;
	[tilespmem:s7+$0xFFFFFFC0] =	vst v0  }
0x46: {  	[hbm4b:s3+s5] =	stream.linear.scatter [tilespmem:s28], [sflag:$0x1], $0x400, $0x38;
	[tilespmem:$0x1080] =	vst v63  }
0x47: {  	s2 =	sadd.s32 s2, s4;
	s29 =	simm.s32 $0xC00;
	s30 =	simm.s32 $0x1  }
0x48: {  	[hbm4b:s2+s5] =	stream.linear.scatter [tilespmem:s29], [sflag:$0x2], $0x400, $0x38;
	[tilespmem:$0x1080] =	vst v63  }
0x49: {  	_ =	swait.ge [sflag:s30], $0x400  }
0x4a: {  	[sflag:s30] =	ssyncset.done $0x0  }
0x4b: {  	s31 =	simm.s32 $0x2;
	[sflag:s30] =	ssyncadd.s32 $0xFFFFFC00  }
0x4c: {  	_ =	swait.ge [sflag:s31], $0x400  }
0x4d: {  	[sflag:s31] =	ssyncset.done $0x0  }
0x4e: {  	[sflag:s31] =	ssyncadd.s32 $0xFFFFFC00  }
0x4f: {  	_ =	sfence.sel $0x180000  }
0x50: {  	[bflag:$0x0] =	sbarrier.arrive $0xFFFF  }
0x51: {  	p0 =	sne.s32 s1, $0x0;
	_ =	strace $0x90000047  }
0x52: {  	s0 =	sadd.s32 @!p0 $0x100000, s0;
	[bflag:$0x2] =	sbarrier.arrive $0xFFFF  }
0x53: {  	[sflag:s0] =	ssyncadd.tile.s32 @!p0 $0x1;
	_ =	shalt  }
.Lfunc_end2:
_tile_overlayer_lowered:
.L_overlay_start_2:
0x54: {  	(tag) =	ssettag $0x2  }
0x55: {  	s0 =	rddreg [dreg:$0x0];
	s2 =	stileid.u32  }
0x56: {  	s1 =	rddreg [dreg:$0x1];
	p0 =	sne.s32 s2, $0x0  }
0x57: {  	s3 =	rddreg [dreg:$0x2];
	[bflag:$0x3] =	sbarrier.arrive $0xFFFF;
	s2 =	simm.s32 @!p0 $0x1C03  }
0x58: {  	[timem:s3], [sflag:s2] =	dma.local @!p0 [hbm:s0], s1  }
0x59: {  	s0 =	simm.s32 @!p0 $0x3  }
0x5a: {  	_ =	swait.ge @!p0 [sflag:s0], s1  }
0x5b: {  	s1 =	ssub.s32 @!p0 $0x0, s1;
	[sflag:s0] =	ssyncset.done @!p0 $0x0  }
0x5c: {  	[sflag:s0] =	ssyncadd.s32 @!p0 s1  }
0x5d: {  	[bflag:$0x3] =	sbarrier.arrive $0xFFFF  }
0x5e: {  	_ =	shalt  }

</sc_bundles>
